<compile_context>
chip_gen: v7x
topology: tpu7x:2x2x1
jax: 0.10.2.dev20260603
libtpu: 0.0.44.dev20260713+nightly
codegen_flags: <defaults>
</compile_context>

<pallas_src>
import functools

import jax
import jax.numpy as jnp
from jax import lax
from jax.experimental import pallas as pl
from jax.experimental.pallas import tpu as pltpu
from jax.experimental.pallas import tpu_sc as plsc

_TEMP = 0.05
_L2 = 0.5
_B = 1024
_F = 128
_N = 100000
_C = 4000
_H = 1
_STEPS = _N // (_C * _H)
_LOG2E = 1.4426950408889634
_SHIFT2 = _LOG2E / _TEMP
_LN2 = 0.6931471805599453


def _gather_targets(f, fu, fd, targets):
    info = plsc.get_sparse_core_info()
    nw = info.num_cores * info.num_subcores
    bpw = _B // nw
    mesh = plsc.VectorSubcoreMesh(core_axis_name="c", subcore_axis_name="s")

    @functools.partial(
        pl.kernel, mesh=mesh,
        out_type=[jax.ShapeDtypeStruct((_B, _F), jnp.float32)] * 3,
        scratch_types=[
            pltpu.VMEM((bpw,), jnp.int32),
            pltpu.VMEM((bpw, _F), jnp.float32),
            pltpu.SemaphoreType.DMA,
        ],
    )
    def gather3(t_hbm, f0, f1, f2, o0, o1, o2, idx_v, rows_v, sem):
        wid = lax.axis_index("s") * info.num_cores + lax.axis_index("c")
        base = wid * bpw
        pltpu.sync_copy(t_hbm.at[pl.ds(base, bpw)], idx_v)
        for t, o in ((f0, o0), (f1, o1), (f2, o2)):
            pltpu.async_copy(t.at[idx_v], rows_v, sem).wait()
            pltpu.sync_copy(rows_v, o.at[pl.ds(base, bpw)])

    return gather3(targets, f, fu, fd)


def _prep_body(x_ref, xu_ref, xd_ref, out_ref):
    for k, r in enumerate((x_ref, xu_ref, xd_ref)):
        v = r[...]
        n = jnp.sqrt(jnp.sum(v * v, axis=1, keepdims=True))
        out_ref[k] = v * (_SHIFT2 / jnp.maximum(n, 1e-12))


def _prep(x, xu, xd):
    return pl.pallas_call(
        _prep_body,
        out_shape=jax.ShapeDtypeStruct((3, _B, _F), jnp.float32),
    )(x, xu, xd)


def _sumexp_body(xs_ref, f_ref, fu_ref, fd_ref, out_ref):
    i = pl.program_id(1)
    parts = []
    for k, fr in enumerate((f_ref, fu_ref, fd_ref)):
        y = jax.lax.dot_general(
            xs_ref[k], fr[...], (((1,), (1,)), ((), ())),
            preferred_element_type=jnp.float32)
        if k == 0:
            e = jnp.exp2(y)
        else:
            e = jnp.exp2(y.astype(jnp.bfloat16)).astype(jnp.float32)
        parts.append(jnp.sum(e, axis=1, keepdims=True))
    s_all = jnp.stack(parts, axis=0)[None]
    out_ref[...] = jnp.where(i == 0, s_all, out_ref[...] + s_all)


def _partial_sumexp(xs, f, fu, fd):
    xsblk = pl.BlockSpec((3, _B, _F), lambda h, i: (0, 0, 0))
    fblk = pl.BlockSpec((_C, _F), lambda h, i: (h * _STEPS + i, 0))
    return pl.pallas_call(
        _sumexp_body,
        grid=(_H, _STEPS),
        in_specs=[xsblk, fblk, fblk, fblk],
        out_specs=pl.BlockSpec((1, 3, _B, 1), lambda h, i: (h, 0, 0, 0)),
        out_shape=jax.ShapeDtypeStruct((_H, 3, _B, 1), jnp.float32),
        compiler_params=pltpu.CompilerParams(
            dimension_semantics=("parallel", "arbitrary")),
    )(xs, f, fu, fd)


def _merge_body(xs_ref, g_ref, gu_ref, gd_ref, se_ref, out_ref):
    acc = jnp.float32(0.0)
    for k, (w, gr) in enumerate(zip(
            (1.0 - _L2, _L2, _L2), (g_ref, gu_ref, gd_ref))):
        yt = jnp.sum(xs_ref[k] * gr[...], axis=1, keepdims=True)
        se = se_ref[0, k]
        for h in range(1, _H):
            se = se + se_ref[h, k]
        nll = _LN2 * (jnp.log2(se) - yt)
        acc += w * jnp.sum(nll)
    out_ref[...] = (acc / _B).reshape(1, 1)


def _merge_loss(xs, g, gu, gd, separt):
    return pl.pallas_call(
        _merge_body,
        out_shape=jax.ShapeDtypeStruct((1, 1), jnp.float32),
    )(xs, g, gu, gd, separt)


def kernel(inputs, inputs_up, inputs_down, targets, epoch,
           features, features_up, features_down):
    del epoch
    g, gu, gd = _gather_targets(features, features_up, features_down, targets)
    xs = _prep(inputs, inputs_up, inputs_down)
    separt = _partial_sumexp(xs, features, features_up, features_down)
    loss = _merge_loss(xs, g, gu, gd, separt)
    return loss[0, 0]

# --- scband reference (transcript-rebuilt; emitter-appended) ---
"""Pipeline reference for scband-cluster-memory-part-source-55456617726498 (READ-ONLY COPY).

The authoritative reference and input builder live on the scoring server;
editing this copy changes nothing except your own understanding.
"""

import jax, jax.numpy as jnp
import numpy as np

B = 1024
NUM_FEATURES = 128
NUM_SAMPLES = 100000
TEMP = 0.05
MOMENTUM = 0.2
LAMBDA2 = 0.5


def _l2norm(x, axis=1):
    n = jnp.linalg.norm(x, axis=axis, keepdims=True)
    return x / jnp.maximum(n, 1e-12)


def _cross_entropy(logits, targets):
    logp = jax.nn.log_softmax(logits, axis=1)
    nll = -jnp.take_along_axis(logp, targets[:, None], axis=1)[:, 0]
    return jnp.mean(nll)


def setup_inputs(seed: int = 0) -> dict:
    key = jax.random.key(seed)
    ks = jax.random.split(key, 8)
    inputs = jax.random.normal(ks[0], (B, NUM_FEATURES), dtype=jnp.float32)
    inputs_up = jax.random.normal(ks[1], (B, NUM_FEATURES), dtype=jnp.float32)
    inputs_down = jax.random.normal(ks[2], (B, NUM_FEATURES), dtype=jnp.float32)
    targets = jax.random.randint(ks[3], (B,), 0, NUM_SAMPLES, dtype=jnp.int32)
    features = _l2norm(jax.random.normal(ks[4], (NUM_SAMPLES, NUM_FEATURES), dtype=jnp.float32))
    features_up = _l2norm(jax.random.normal(ks[5], (NUM_SAMPLES, NUM_FEATURES), dtype=jnp.float32))
    features_down = _l2norm(jax.random.normal(ks[6], (NUM_SAMPLES, NUM_FEATURES), dtype=jnp.float32))
    return {
        "inputs": inputs,
        "inputs_up": inputs_up,
        "inputs_down": inputs_down,
        "targets": targets,
        "epoch": 10,
        "features": features,
        "features_up": features_up,
        "features_down": features_down,
    }


def reference(inputs, inputs_up, inputs_down, targets, epoch, features, features_up, features_down):
    x = _l2norm(inputs)
    x_up = _l2norm(inputs_up)
    x_down = _l2norm(inputs_down)
    # CM.forward: inputs @ features.T (features are non-trainable memory buffers)
    outputs = x @ features.T
    outputs_up = x_up @ features_up.T
    outputs_down = x_down @ features_down.T
    outputs = outputs / TEMP
    outputs_up = outputs_up / TEMP
    outputs_down = outputs_down / TEMP
    loss = ((1.0 - LAMBDA2) * _cross_entropy(outputs, targets)
            + LAMBDA2 * _cross_entropy(outputs_up, targets)
            + LAMBDA2 * _cross_entropy(outputs_down, targets))
    return loss

if __name__ == "__main__":
    import jax
    _d = setup_inputs()
    print(jax.jit(kernel)(*tuple(_d.values())))

</pallas_src>

<mosaic_0001>
#map = affine_map<(d0, d1) -> (0)>
#map1 = affine_map<(d0, d1) -> (0, 0)>
module attributes {stable_mosaic.version = 14 : i64} {
  func.func @gather3(%arg0: i32, %arg1: i32, %arg2: memref<1024xi32, #tpu.memory_space<hbm>>, %arg3: memref<100000x128xf32, #tpu.memory_space<hbm>>, %arg4: memref<100000x128xf32, #tpu.memory_space<hbm>>, %arg5: memref<100000x128xf32, #tpu.memory_space<hbm>>, %arg6: memref<1024x128xf32, #tpu.memory_space<hbm>>, %arg7: memref<1024x128xf32, #tpu.memory_space<hbm>>, %arg8: memref<1024x128xf32, #tpu.memory_space<hbm>>, %arg9: memref<32xi32, #tpu.memory_space<vmem>>, %arg10: memref<32x128xf32, #tpu.memory_space<vmem>>, %arg11: memref<!tpu.dma_semaphore, #tpu.memory_space<semaphore_mem>>) attributes {dimension_semantics = [#tpu.dimension_semantics<core_parallel>, #tpu.dimension_semantics<subcore_parallel>], iteration_bounds = array<i64: 2, 16>, scalar_prefetch = 0 : i64, scratch_operands = 3 : i64, tpu.core_type = #tpu.core_type<sc_vector_subcore>, window_params = [{transform_indices = #map}, {transform_indices = #map1}, {transform_indices = #map1}, {transform_indices = #map1}, {transform_indices = #map1}, {transform_indices = #map1}, {transform_indices = #map1}]} {
    %mul3A = arith.constant 2 : i32
    %mul3A_0 = arith.muli %arg1, %mul3A : i32
    %add3A = arith.addi %mul3A_0, %arg0 : i32
    %mul3A_1 = arith.constant 32 : i32
    %mul3A_2 = arith.muli %add3A, %mul3A_1 : i32
    "tpu.region"() ({
      %run_scoped3A = tpu.sem_alloc : memref<!tpu.dma_semaphore, #tpu.memory_space<semaphore_mem>>
      %dma_start3A_19 = tpu.memref_slice %arg2[%mul3A_2] : memref<1024xi32, #tpu.memory_space<hbm>> -> memref<32xi32, #tpu.memory_space<hbm>>
      %dma_start3A_20 = tpu.memref_slice %arg2[%mul3A_2] : memref<1024xi32, #tpu.memory_space<hbm>> -> memref<32xi32, #tpu.memory_space<hbm>>
      tpu.enqueue_dma source(%dma_start3A_20 : memref<32xi32, #tpu.memory_space<hbm>>) target(%arg9 : memref<32xi32, #tpu.memory_space<vmem>>) target_semaphore(%run_scoped3A : memref<!tpu.dma_semaphore, #tpu.memory_space<semaphore_mem>>)
      %dma_wait3A_21 = tpu.memref_slice %arg2[%mul3A_2] : memref<1024xi32, #tpu.memory_space<hbm>> -> memref<32xi32, #tpu.memory_space<hbm>>
      %dma_wait3A_22 = tpu.memref_slice %arg2[%mul3A_2] : memref<1024xi32, #tpu.memory_space<hbm>> -> memref<32xi32, #tpu.memory_space<hbm>>
      tpu.wait_dma2 semaphore(%run_scoped3A : memref<!tpu.dma_semaphore, #tpu.memory_space<semaphore_mem>>) src(%dma_wait3A_22 : memref<32xi32, #tpu.memory_space<hbm>>) dst(%arg9 : memref<32xi32, #tpu.memory_space<vmem>>)
      tpu.yield
    }) : () -> ()
    %dma_start3A = arith.constant 0 : i32
    %dma_start3A_3 = arith.constant 0 : i32
    %dma_start3A_4 = tpu.memref_slice %arg3[%dma_start3A, %dma_start3A_3] : memref<100000x128xf32, #tpu.memory_space<hbm>> -> memref<100000x128xf32, #tpu.memory_space<hbm>>
    tpu.enqueue_indirect_dma source(%dma_start3A_4 : memref<100000x128xf32, #tpu.memory_space<hbm>>) target(%arg10 : memref<32x128xf32, #tpu.memory_space<vmem>>) offsets(%arg9 : memref<32xi32, #tpu.memory_space<vmem>>) semaphore(%arg11 : memref<!tpu.dma_semaphore, #tpu.memory_space<semaphore_mem>>)
    %dma_wait3A = arith.constant 0 : i32
    %dma_wait3A_5 = arith.constant 0 : i32
    %dma_wait3A_6 = tpu.memref_slice %arg3[%dma_wait3A, %dma_wait3A_5] : memref<100000x128xf32, #tpu.memory_space<hbm>> -> memref<100000x128xf32, #tpu.memory_space<hbm>>
    tpu.wait_indirect_dma semaphore(%arg11 : memref<!tpu.dma_semaphore, #tpu.memory_space<semaphore_mem>>) src(%dma_wait3A_6 : memref<100000x128xf32, #tpu.memory_space<hbm>>) dst(%arg10 : memref<32x128xf32, #tpu.memory_space<vmem>>)
    "tpu.region"() ({
      %run_scoped3A = tpu.sem_alloc : memref<!tpu.dma_semaphore, #tpu.memory_space<semaphore_mem>>
      %dma_start3A_19 = arith.constant 0 : i32
      %dma_start3A_20 = tpu.memref_slice %arg6[%mul3A_2, %dma_start3A_19] : memref<1024x128xf32, #tpu.memory_space<hbm>> -> memref<32x128xf32, #tpu.memory_space<hbm>>
      %dma_start3A_21 = arith.constant 0 : i32
      %dma_start3A_22 = tpu.memref_slice %arg6[%mul3A_2, %dma_start3A_21] : memref<1024x128xf32, #tpu.memory_space<hbm>> -> memref<32x128xf32, #tpu.memory_space<hbm>>
      tpu.enqueue_dma source(%arg10 : memref<32x128xf32, #tpu.memory_space<vmem>>) target(%dma_start3A_22 : memref<32x128xf32, #tpu.memory_space<hbm>>) target_semaphore(%run_scoped3A : memref<!tpu.dma_semaphore, #tpu.memory_space<semaphore_mem>>)
      %dma_wait3A_23 = arith.constant 0 : i32
      %dma_wait3A_24 = tpu.memref_slice %arg6[%mul3A_2, %dma_wait3A_23] : memref<1024x128xf32, #tpu.memory_space<hbm>> -> memref<32x128xf32, #tpu.memory_space<hbm>>
      %dma_wait3A_25 = arith.constant 0 : i32
      %dma_wait3A_26 = tpu.memref_slice %arg6[%mul3A_2, %dma_wait3A_25] : memref<1024x128xf32, #tpu.memory_space<hbm>> -> memref<32x128xf32, #tpu.memory_space<hbm>>
      tpu.wait_dma2 semaphore(%run_scoped3A : memref<!tpu.dma_semaphore, #tpu.memory_space<semaphore_mem>>) src(%arg10 : memref<32x128xf32, #tpu.memory_space<vmem>>) dst(%dma_wait3A_26 : memref<32x128xf32, #tpu.memory_space<hbm>>)
      tpu.yield
    }) : () -> ()
    %dma_start3A_7 = arith.constant 0 : i32
    %dma_start3A_8 = arith.constant 0 : i32
    %dma_start3A_9 = tpu.memref_slice %arg4[%dma_start3A_7, %dma_start3A_8] : memref<100000x128xf32, #tpu.memory_space<hbm>> -> memref<100000x128xf32, #tpu.memory_space<hbm>>
    tpu.enqueue_indirect_dma source(%dma_start3A_9 : memref<100000x128xf32, #tpu.memory_space<hbm>>) target(%arg10 : memref<32x128xf32, #tpu.memory_space<vmem>>) offsets(%arg9 : memref<32xi32, #tpu.memory_space<vmem>>) semaphore(%arg11 : memref<!tpu.dma_semaphore, #tpu.memory_space<semaphore_mem>>)
    %dma_wait3A_10 = arith.constant 0 : i32
    %dma_wait3A_11 = arith.constant 0 : i32
    %dma_wait3A_12 = tpu.memref_slice %arg4[%dma_wait3A_10, %dma_wait3A_11] : memref<100000x128xf32, #tpu.memory_space<hbm>> -> memref<100000x128xf32, #tpu.memory_space<hbm>>
    tpu.wait_indirect_dma semaphore(%arg11 : memref<!tpu.dma_semaphore, #tpu.memory_space<semaphore_mem>>) src(%dma_wait3A_12 : memref<100000x128xf32, #tpu.memory_space<hbm>>) dst(%arg10 : memref<32x128xf32, #tpu.memory_space<vmem>>)
    "tpu.region"() ({
      %run_scoped3A = tpu.sem_alloc : memref<!tpu.dma_semaphore, #tpu.memory_space<semaphore_mem>>
      %dma_start3A_19 = arith.constant 0 : i32
      %dma_start3A_20 = tpu.memref_slice %arg7[%mul3A_2, %dma_start3A_19] : memref<1024x128xf32, #tpu.memory_space<hbm>> -> memref<32x128xf32, #tpu.memory_space<hbm>>
      %dma_start3A_21 = arith.constant 0 : i32
      %dma_start3A_22 = tpu.memref_slice %arg7[%mul3A_2, %dma_start3A_21] : memref<1024x128xf32, #tpu.memory_space<hbm>> -> memref<32x128xf32, #tpu.memory_space<hbm>>
      tpu.enqueue_dma source(%arg10 : memref<32x128xf32, #tpu.memory_space<vmem>>) target(%dma_start3A_22 : memref<32x128xf32, #tpu.memory_space<hbm>>) target_semaphore(%run_scoped3A : memref<!tpu.dma_semaphore, #tpu.memory_space<semaphore_mem>>)
      %dma_wait3A_23 = arith.constant 0 : i32
      %dma_wait3A_24 = tpu.memref_slice %arg7[%mul3A_2, %dma_wait3A_23] : memref<1024x128xf32, #tpu.memory_space<hbm>> -> memref<32x128xf32, #tpu.memory_space<hbm>>
      %dma_wait3A_25 = arith.constant 0 : i32
      %dma_wait3A_26 = tpu.memref_slice %arg7[%mul3A_2, %dma_wait3A_25] : memref<1024x128xf32, #tpu.memory_space<hbm>> -> memref<32x128xf32, #tpu.memory_space<hbm>>
      tpu.wait_dma2 semaphore(%run_scoped3A : memref<!tpu.dma_semaphore, #tpu.memory_space<semaphore_mem>>) src(%arg10 : memref<32x128xf32, #tpu.memory_space<vmem>>) dst(%dma_wait3A_26 : memref<32x128xf32, #tpu.memory_space<hbm>>)
      tpu.yield
    }) : () -> ()
    %dma_start3A_13 = arith.constant 0 : i32
    %dma_start3A_14 = arith.constant 0 : i32
    %dma_start3A_15 = tpu.memref_slice %arg5[%dma_start3A_13, %dma_start3A_14] : memref<100000x128xf32, #tpu.memory_space<hbm>> -> memref<100000x128xf32, #tpu.memory_space<hbm>>
    tpu.enqueue_indirect_dma source(%dma_start3A_15 : memref<100000x128xf32, #tpu.memory_space<hbm>>) target(%arg10 : memref<32x128xf32, #tpu.memory_space<vmem>>) offsets(%arg9 : memref<32xi32, #tpu.memory_space<vmem>>) semaphore(%arg11 : memref<!tpu.dma_semaphore, #tpu.memory_space<semaphore_mem>>)
    %dma_wait3A_16 = arith.constant 0 : i32
    %dma_wait3A_17 = arith.constant 0 : i32
    %dma_wait3A_18 = tpu.memref_slice %arg5[%dma_wait3A_16, %dma_wait3A_17] : memref<100000x128xf32, #tpu.memory_space<hbm>> -> memref<100000x128xf32, #tpu.memory_space<hbm>>
    tpu.wait_indirect_dma semaphore(%arg11 : memref<!tpu.dma_semaphore, #tpu.memory_space<semaphore_mem>>) src(%dma_wait3A_18 : memref<100000x128xf32, #tpu.memory_space<hbm>>) dst(%arg10 : memref<32x128xf32, #tpu.memory_space<vmem>>)
    "tpu.region"() ({
      %run_scoped3A = tpu.sem_alloc : memref<!tpu.dma_semaphore, #tpu.memory_space<semaphore_mem>>
      %dma_start3A_19 = arith.constant 0 : i32
      %dma_start3A_20 = tpu.memref_slice %arg8[%mul3A_2, %dma_start3A_19] : memref<1024x128xf32, #tpu.memory_space<hbm>> -> memref<32x128xf32, #tpu.memory_space<hbm>>
      %dma_start3A_21 = arith.constant 0 : i32
      %dma_start3A_22 = tpu.memref_slice %arg8[%mul3A_2, %dma_start3A_21] : memref<1024x128xf32, #tpu.memory_space<hbm>> -> memref<32x128xf32, #tpu.memory_space<hbm>>
      tpu.enqueue_dma source(%arg10 : memref<32x128xf32, #tpu.memory_space<vmem>>) target(%dma_start3A_22 : memref<32x128xf32, #tpu.memory_space<hbm>>) target_semaphore(%run_scoped3A : memref<!tpu.dma_semaphore, #tpu.memory_space<semaphore_mem>>)
      %dma_wait3A_23 = arith.constant 0 : i32
      %dma_wait3A_24 = tpu.memref_slice %arg8[%mul3A_2, %dma_wait3A_23] : memref<1024x128xf32, #tpu.memory_space<hbm>> -> memref<32x128xf32, #tpu.memory_space<hbm>>
      %dma_wait3A_25 = arith.constant 0 : i32
      %dma_wait3A_26 = tpu.memref_slice %arg8[%mul3A_2, %dma_wait3A_25] : memref<1024x128xf32, #tpu.memory_space<hbm>> -> memref<32x128xf32, #tpu.memory_space<hbm>>
      tpu.wait_dma2 semaphore(%run_scoped3A : memref<!tpu.dma_semaphore, #tpu.memory_space<semaphore_mem>>) src(%arg10 : memref<32x128xf32, #tpu.memory_space<vmem>>) dst(%dma_wait3A_26 : memref<32x128xf32, #tpu.memory_space<hbm>>)
      tpu.yield
    }) : () -> ()
    return
  }
}

module attributes {stable_mosaic.version = 14 : i64} {
  func.func @_sumexp_body(%arg0: i32, %arg1: i32, %arg2: memref<3x1024x128xf32, #tpu.memory_space<vmem>>, %arg3: memref<4000x128xf32, #tpu.memory_space<vmem>>, %arg4: memref<4000x128xf32, #tpu.memory_space<vmem>>, %arg5: memref<4000x128xf32, #tpu.memory_space<vmem>>, %arg6: memref<1x3x1024x1xf32, #tpu.memory_space<vmem>>) attributes {dimension_semantics = [#tpu.dimension_semantics<parallel>, #tpu.dimension_semantics<arbitrary>], iteration_bounds = array<i64: 1, 25>, scalar_prefetch = 0 : i64, scratch_operands = 0 : i64, tpu.core_type = #tpu.core_type<tc>, window_params = [{pipeline_mode = #tpu.pipeline_mode<synchronous>, transform_indices = @transform_0, window_bounds = array<i64: 3, 1024, 128>}, {transform_indices = @transform_1, window_bounds = array<i64: 4000, 128>}, {transform_indices = @transform_2, window_bounds = array<i64: 4000, 128>}, {transform_indices = @transform_3, window_bounds = array<i64: 4000, 128>}, {transform_indices = @transform_4, window_bounds = array<i64: 1, 3, 1024, 1>}]} {
    %get3A = arith.constant 0 : index
    %get3A_0 = arith.constant 0 : index
    %get3A_1 = arith.constant 0 : index
    %get3A_2 = vector.load %arg2[%get3A, %get3A_0, %get3A_1] : memref<3x1024x128xf32, #tpu.memory_space<vmem>>, vector<1x1024x128xf32>
    %get3A_3 = vector.shape_cast %get3A_2 : vector<1x1024x128xf32> to vector<1024x128xf32>
    %get3A_4 = arith.constant 0 : index
    %get3A_5 = arith.constant 0 : index
    %get3A_6 = vector.load %arg3[%get3A_4, %get3A_5] : memref<4000x128xf32, #tpu.memory_space<vmem>>, vector<4000x128xf32>
    %dot_general3A = arith.constant dense<0.000000e+00> : vector<1024x4000xf32>
    %dot_general3A_7 = tpu.matmul %get3A_3, %get3A_6, %dot_general3A {dimension_numbers = #tpu.dot_dimension_numbers<[1], [1], [0], [0], [0, 0, 1, 0], [], []>, transpose_lhs_hint = false} : vector<1024x128xf32>, vector<4000x128xf32>, vector<1024x4000xf32> -> vector<1024x4000xf32>
    %exp23A = math.exp2 %dot_general3A_7 : vector<1024x4000xf32>
    %reduce_sum3A = arith.constant dense<0.000000e+00> : vector<1024xf32>
    %reduce_sum3A_8 = vector.multi_reduction <add>, %exp23A, %reduce_sum3A [1] : vector<1024x4000xf32> to vector<1024xf32>
    %broadcast_in_dim3A = vector.shape_cast %reduce_sum3A_8 : vector<1024xf32> to vector<1024x1xf32>
    %get3A_9 = arith.constant 1 : index
    %get3A_10 = arith.constant 0 : index
    %get3A_11 = arith.constant 0 : index
    %get3A_12 = vector.load %arg2[%get3A_9, %get3A_10, %get3A_11] : memref<3x1024x128xf32, #tpu.memory_space<vmem>>, vector<1x1024x128xf32>
    %get3A_13 = vector.shape_cast %get3A_12 : vector<1x1024x128xf32> to vector<1024x128xf32>
    %get3A_14 = arith.constant 0 : index
    %get3A_15 = arith.constant 0 : index
    %get3A_16 = vector.load %arg4[%get3A_14, %get3A_15] : memref<4000x128xf32, #tpu.memory_space<vmem>>, vector<4000x128xf32>
    %dot_general3A_17 = arith.constant dense<0.000000e+00> : vector<1024x4000xf32>
    %dot_general3A_18 = tpu.matmul %get3A_13, %get3A_16, %dot_general3A_17 {dimension_numbers = #tpu.dot_dimension_numbers<[1], [1], [0], [0], [0, 0, 1, 0], [], []>, transpose_lhs_hint = false} : vector<1024x128xf32>, vector<4000x128xf32>, vector<1024x4000xf32> -> vector<1024x4000xf32>
    %convert_element_type3A = arith.truncf %dot_general3A_18 : vector<1024x4000xf32> to vector<1024x4000xbf16>
    %exp23A_19 = math.exp2 %convert_element_type3A : vector<1024x4000xbf16>
    %convert_element_type3A_20 = arith.extf %exp23A_19 : vector<1024x4000xbf16> to vector<1024x4000xf32>
    %reduce_sum3A_21 = arith.constant dense<0.000000e+00> : vector<1024xf32>
    %reduce_sum3A_22 = vector.multi_reduction <add>, %convert_element_type3A_20, %reduce_sum3A_21 [1] : vector<1024x4000xf32> to vector<1024xf32>
    %broadcast_in_dim3A_23 = vector.shape_cast %reduce_sum3A_22 : vector<1024xf32> to vector<1024x1xf32>
    %get3A_24 = arith.constant 2 : index
    %get3A_25 = arith.constant 0 : index
    %get3A_26 = arith.constant 0 : index
    %get3A_27 = vector.load %arg2[%get3A_24, %get3A_25, %get3A_26] : memref<3x1024x128xf32, #tpu.memory_space<vmem>>, vector<1x1024x128xf32>
    %get3A_28 = vector.shape_cast %get3A_27 : vector<1x1024x128xf32> to vector<1024x128xf32>
    %get3A_29 = arith.constant 0 : index
    %get3A_30 = arith.constant 0 : index
    %get3A_31 = vector.load %arg5[%get3A_29, %get3A_30] : memref<4000x128xf32, #tpu.memory_space<vmem>>, vector<4000x128xf32>
    %dot_general3A_32 = arith.constant dense<0.000000e+00> : vector<1024x4000xf32>
    %dot_general3A_33 = tpu.matmul %get3A_28, %get3A_31, %dot_general3A_32 {dimension_numbers = #tpu.dot_dimension_numbers<[1], [1], [0], [0], [0, 0, 1, 0], [], []>, transpose_lhs_hint = false} : vector<1024x128xf32>, vector<4000x128xf32>, vector<1024x4000xf32> -> vector<1024x4000xf32>
    %convert_element_type3A_34 = arith.truncf %dot_general3A_33 : vector<1024x4000xf32> to vector<1024x4000xbf16>
    %exp23A_35 = math.exp2 %convert_element_type3A_34 : vector<1024x4000xbf16>
    %convert_element_type3A_36 = arith.extf %exp23A_35 : vector<1024x4000xbf16> to vector<1024x4000xf32>
    %reduce_sum3A_37 = arith.constant dense<0.000000e+00> : vector<1024xf32>
    %reduce_sum3A_38 = vector.multi_reduction <add>, %convert_element_type3A_36, %reduce_sum3A_37 [1] : vector<1024x4000xf32> to vector<1024xf32>
    %broadcast_in_dim3A_39 = vector.shape_cast %reduce_sum3A_38 : vector<1024xf32> to vector<1024x1xf32>
    %stack3A = vector.shape_cast %broadcast_in_dim3A : vector<1024x1xf32> to vector<1x1024x1xf32>
    %stack3A_40 = vector.shape_cast %broadcast_in_dim3A_23 : vector<1024x1xf32> to vector<1x1024x1xf32>
    %stack3A_41 = vector.shape_cast %broadcast_in_dim3A_39 : vector<1024x1xf32> to vector<1x1024x1xf32>
    %stack3A_42 = tpu.concatenate %stack3A, %stack3A_40, %stack3A_41 in 0 : vector<1x1024x1xf32>, vector<1x1024x1xf32>, vector<1x1024x1xf32> -> vector<3x1024x1xf32>
    %broadcast_in_dim3A_43 = vector.shape_cast %stack3A_42 : vector<3x1024x1xf32> to vector<1x3x1024x1xf32>
    %eq3A = arith.constant 0 : i32
    %eq3A_44 = arith.cmpi eq, %arg1, %eq3A : i32
    %get3A_45 = arith.constant 0 : index
    %get3A_46 = arith.constant 0 : index
    %get3A_47 = arith.constant 0 : index
    %get3A_48 = arith.constant 0 : index
    %get3A_49 = vector.load %arg6[%get3A_45, %get3A_46, %get3A_47, %get3A_48] : memref<1x3x1024x1xf32, #tpu.memory_space<vmem>>, vector<1x3x1024x1xf32>
    %add3A = arith.addf %get3A_49, %broadcast_in_dim3A_43 : vector<1x3x1024x1xf32>
    %select_n3A = arith.select %eq3A_44, %broadcast_in_dim3A_43, %add3A : vector<1x3x1024x1xf32>
    %swap3A = arith.constant 0 : index
    %swap3A_50 = arith.constant 0 : index
    %swap3A_51 = arith.constant 0 : index
    %swap3A_52 = arith.constant 0 : index
    %swap3A_53 = vector.load %arg6[%swap3A, %swap3A_50, %swap3A_51, %swap3A_52] : memref<1x3x1024x1xf32, #tpu.memory_space<vmem>>, vector<1x3x1024x1xf32>
    tpu.vector_store %arg6[%swap3A, %swap3A_50, %swap3A_51, %swap3A_52], %select_n3A {strides = array<i32>} : memref<1x3x1024x1xf32, #tpu.memory_space<vmem>>, vector<1x3x1024x1xf32>,
    return
  }
  func.func @transform_0(%arg0: i32, %arg1: i32) -> (i32, i32, i32) {
    %c0_i32 = arith.constant 0 : i32
    %c0_i32_0 = arith.constant 0 : i32
    %c0_i32_1 = arith.constant 0 : i32
    %c0_i32_2 = arith.constant 0 : i32
    return %c0_i32, %c0_i32_0, %c0_i32_1 : i32, i32, i32
  }
  func.func @transform_1(%arg0: i32, %arg1: i32) -> (i32, i32) {
    %mul3A = arith.constant 25 : i32
    %mul3A_0 = arith.muli %arg0, %mul3A : i32
    %add3A = arith.addi %mul3A_0, %arg1 : i32
    %c0_i32 = arith.constant 0 : i32
    %c0_i32_1 = arith.constant 0 : i32
    return %add3A, %c0_i32 : i32, i32
  }
  func.func @transform_2(%arg0: i32, %arg1: i32) -> (i32, i32) {
    %mul3A = arith.constant 25 : i32
    %mul3A_0 = arith.muli %arg0, %mul3A : i32
    %add3A = arith.addi %mul3A_0, %arg1 : i32
    %c0_i32 = arith.constant 0 : i32
    %c0_i32_1 = arith.constant 0 : i32
    return %add3A, %c0_i32 : i32, i32
  }
  func.func @transform_3(%arg0: i32, %arg1: i32) -> (i32, i32) {
    %mul3A = arith.constant 25 : i32
    %mul3A_0 = arith.muli %arg0, %mul3A : i32
    %add3A = arith.addi %mul3A_0, %arg1 : i32
    %c0_i32 = arith.constant 0 : i32
    %c0_i32_1 = arith.constant 0 : i32
    return %add3A, %c0_i32 : i32, i32
  }
  func.func @transform_4(%arg0: i32, %arg1: i32) -> (i32, i32, i32, i32) {
    %c0_i32 = arith.constant 0 : i32
    %c0_i32_0 = arith.constant 0 : i32
    %c0_i32_1 = arith.constant 0 : i32
    %c0_i32_2 = arith.constant 0 : i32
    return %arg0, %c0_i32, %c0_i32_0, %c0_i32_1 : i32, i32, i32, i32
  }
}

module attributes {stable_mosaic.version = 14 : i64} {
  func.func @_prep_body(%arg0: memref<1024x128xf32, #tpu.memory_space<vmem>>, %arg1: memref<1024x128xf32, #tpu.memory_space<vmem>>, %arg2: memref<1024x128xf32, #tpu.memory_space<vmem>>, %arg3: memref<3x1024x128xf32, #tpu.memory_space<vmem>>) attributes {dimension_semantics = [], scalar_prefetch = 0 : i64, scratch_operands = 0 : i64, tpu.core_type = #tpu.core_type<tc>} {
    %get3A = arith.constant 0 : index
    %get3A_0 = arith.constant 0 : index
    %get3A_1 = vector.load %arg0[%get3A, %get3A_0] : memref<1024x128xf32, #tpu.memory_space<vmem>>, vector<1024x128xf32>
    %mul3A = arith.mulf %get3A_1, %get3A_1 : vector<1024x128xf32>
    %reduce_sum3A = arith.constant dense<0.000000e+00> : vector<1024xf32>
    %reduce_sum3A_2 = vector.multi_reduction <add>, %mul3A, %reduce_sum3A [1] : vector<1024x128xf32> to vector<1024xf32>
    %broadcast_in_dim3A = vector.shape_cast %reduce_sum3A_2 : vector<1024xf32> to vector<1024x1xf32>
    %sqrt3A = math.sqrt %broadcast_in_dim3A : vector<1024x1xf32>
    %max3A = arith.constant 9.99999996E-13 : f32
    %max3A_3 = vector.broadcast %max3A : f32 to vector<1024x1xf32>
    %max3A_4 = arith.maximumf %sqrt3A, %max3A_3 : vector<1024x1xf32>
    %div3A = arith.constant 2.885390e+01 : f32
    %div3A_5 = vector.broadcast %div3A : f32 to vector<1024x1xf32>
    %div3A_6 = arith.divf %div3A_5, %max3A_4 : vector<1024x1xf32>
    %mul3A_7 = vector.broadcast %div3A_6 : vector<1024x1xf32> to vector<1024x128xf32>
    %mul3A_8 = arith.mulf %get3A_1, %mul3A_7 : vector<1024x128xf32>
    %swap3A = arith.constant 0 : index
    %swap3A_9 = arith.constant 0 : index
    %swap3A_10 = arith.constant 0 : index
    %swap3A_11 = vector.load %arg3[%swap3A, %swap3A_9, %swap3A_10] : memref<3x1024x128xf32, #tpu.memory_space<vmem>>, vector<1x1024x128xf32>
    %swap3A_12 = vector.shape_cast %swap3A_11 : vector<1x1024x128xf32> to vector<1024x128xf32>
    %swap3A_13 = vector.shape_cast %mul3A_8 : vector<1024x128xf32> to vector<1x1024x128xf32>
    tpu.vector_store %arg3[%swap3A, %swap3A_9, %swap3A_10], %swap3A_13 {strides = array<i32>} : memref<3x1024x128xf32, #tpu.memory_space<vmem>>, vector<1x1024x128xf32>,
    %get3A_14 = arith.constant 0 : index
    %get3A_15 = arith.constant 0 : index
    %get3A_16 = vector.load %arg1[%get3A_14, %get3A_15] : memref<1024x128xf32, #tpu.memory_space<vmem>>, vector<1024x128xf32>
    %mul3A_17 = arith.mulf %get3A_16, %get3A_16 : vector<1024x128xf32>
    %reduce_sum3A_18 = arith.constant dense<0.000000e+00> : vector<1024xf32>
    %reduce_sum3A_19 = vector.multi_reduction <add>, %mul3A_17, %reduce_sum3A_18 [1] : vector<1024x128xf32> to vector<1024xf32>
    %broadcast_in_dim3A_20 = vector.shape_cast %reduce_sum3A_19 : vector<1024xf32> to vector<1024x1xf32>
    %sqrt3A_21 = math.sqrt %broadcast_in_dim3A_20 : vector<1024x1xf32>
    %max3A_22 = arith.constant 9.99999996E-13 : f32
    %max3A_23 = vector.broadcast %max3A_22 : f32 to vector<1024x1xf32>
    %max3A_24 = arith.maximumf %sqrt3A_21, %max3A_23 : vector<1024x1xf32>
    %div3A_25 = arith.constant 2.885390e+01 : f32
    %div3A_26 = vector.broadcast %div3A_25 : f32 to vector<1024x1xf32>
    %div3A_27 = arith.divf %div3A_26, %max3A_24 : vector<1024x1xf32>
    %mul3A_28 = vector.broadcast %div3A_27 : vector<1024x1xf32> to vector<1024x128xf32>
    %mul3A_29 = arith.mulf %get3A_16, %mul3A_28 : vector<1024x128xf32>
    %swap3A_30 = arith.constant 1 : index
    %swap3A_31 = arith.constant 0 : index
    %swap3A_32 = arith.constant 0 : index
    %swap3A_33 = vector.load %arg3[%swap3A_30, %swap3A_31, %swap3A_32] : memref<3x1024x128xf32, #tpu.memory_space<vmem>>, vector<1x1024x128xf32>
    %swap3A_34 = vector.shape_cast %swap3A_33 : vector<1x1024x128xf32> to vector<1024x128xf32>
    %swap3A_35 = vector.shape_cast %mul3A_29 : vector<1024x128xf32> to vector<1x1024x128xf32>
    tpu.vector_store %arg3[%swap3A_30, %swap3A_31, %swap3A_32], %swap3A_35 {strides = array<i32>} : memref<3x1024x128xf32, #tpu.memory_space<vmem>>, vector<1x1024x128xf32>,
    %get3A_36 = arith.constant 0 : index
    %get3A_37 = arith.constant 0 : index
    %get3A_38 = vector.load %arg2[%get3A_36, %get3A_37] : memref<1024x128xf32, #tpu.memory_space<vmem>>, vector<1024x128xf32>
    %mul3A_39 = arith.mulf %get3A_38, %get3A_38 : vector<1024x128xf32>
    %reduce_sum3A_40 = arith.constant dense<0.000000e+00> : vector<1024xf32>
    %reduce_sum3A_41 = vector.multi_reduction <add>, %mul3A_39, %reduce_sum3A_40 [1] : vector<1024x128xf32> to vector<1024xf32>
    %broadcast_in_dim3A_42 = vector.shape_cast %reduce_sum3A_41 : vector<1024xf32> to vector<1024x1xf32>
    %sqrt3A_43 = math.sqrt %broadcast_in_dim3A_42 : vector<1024x1xf32>
    %max3A_44 = arith.constant 9.99999996E-13 : f32
    %max3A_45 = vector.broadcast %max3A_44 : f32 to vector<1024x1xf32>
    %max3A_46 = arith.maximumf %sqrt3A_43, %max3A_45 : vector<1024x1xf32>
    %div3A_47 = arith.constant 2.885390e+01 : f32
    %div3A_48 = vector.broadcast %div3A_47 : f32 to vector<1024x1xf32>
    %div3A_49 = arith.divf %div3A_48, %max3A_46 : vector<1024x1xf32>
    %mul3A_50 = vector.broadcast %div3A_49 : vector<1024x1xf32> to vector<1024x128xf32>
    %mul3A_51 = arith.mulf %get3A_38, %mul3A_50 : vector<1024x128xf32>
    %swap3A_52 = arith.constant 2 : index
    %swap3A_53 = arith.constant 0 : index
    %swap3A_54 = arith.constant 0 : index
    %swap3A_55 = vector.load %arg3[%swap3A_52, %swap3A_53, %swap3A_54] : memref<3x1024x128xf32, #tpu.memory_space<vmem>>, vector<1x1024x128xf32>
    %swap3A_56 = vector.shape_cast %swap3A_55 : vector<1x1024x128xf32> to vector<1024x128xf32>
    %swap3A_57 = vector.shape_cast %mul3A_51 : vector<1024x128xf32> to vector<1x1024x128xf32>
    tpu.vector_store %arg3[%swap3A_52, %swap3A_53, %swap3A_54], %swap3A_57 {strides = array<i32>} : memref<3x1024x128xf32, #tpu.memory_space<vmem>>, vector<1x1024x128xf32>,
    return
  }
}

module attributes {stable_mosaic.version = 14 : i64} {
  func.func @_merge_body(%arg0: memref<3x1024x128xf32, #tpu.memory_space<vmem>>, %arg1: memref<1024x128xf32, #tpu.memory_space<vmem>>, %arg2: memref<1024x128xf32, #tpu.memory_space<vmem>>, %arg3: memref<1024x128xf32, #tpu.memory_space<vmem>>, %arg4: memref<1x3x1024x1xf32, #tpu.memory_space<vmem>>, %arg5: memref<1x1xf32, #tpu.memory_space<vmem>>) attributes {dimension_semantics = [], scalar_prefetch = 0 : i64, scratch_operands = 0 : i64, tpu.core_type = #tpu.core_type<tc>} {
    %get3A = arith.constant 0 : index
    %get3A_0 = arith.constant 0 : index
    %get3A_1 = arith.constant 0 : index
    %get3A_2 = vector.load %arg0[%get3A, %get3A_0, %get3A_1] : memref<3x1024x128xf32, #tpu.memory_space<vmem>>, vector<1x1024x128xf32>
    %get3A_3 = vector.shape_cast %get3A_2 : vector<1x1024x128xf32> to vector<1024x128xf32>
    %get3A_4 = arith.constant 0 : index
    %get3A_5 = arith.constant 0 : index
    %get3A_6 = vector.load %arg1[%get3A_4, %get3A_5] : memref<1024x128xf32, #tpu.memory_space<vmem>>, vector<1024x128xf32>
    %mul3A = arith.mulf %get3A_3, %get3A_6 : vector<1024x128xf32>
    %reduce_sum3A = arith.constant dense<0.000000e+00> : vector<1024xf32>
    %reduce_sum3A_7 = vector.multi_reduction <add>, %mul3A, %reduce_sum3A [1] : vector<1024x128xf32> to vector<1024xf32>
    %broadcast_in_dim3A = vector.shape_cast %reduce_sum3A_7 : vector<1024xf32> to vector<1024x1xf32>
    %get3A_8 = arith.constant 0 : index
    %get3A_9 = arith.constant 0 : index
    %get3A_10 = arith.constant 0 : index
    %get3A_11 = arith.constant 0 : index
    %get3A_12 = vector.load %arg4[%get3A_8, %get3A_9, %get3A_10, %get3A_11] : memref<1x3x1024x1xf32, #tpu.memory_space<vmem>>, vector<1x1x1024x1xf32>
    %get3A_13 = vector.shape_cast %get3A_12 : vector<1x1x1024x1xf32> to vector<1024x1xf32>
    %log3A = math.log %get3A_13 : vector<1024x1xf32>
    %log3A_14 = arith.constant 2.000000e+00 : f32
    %log3A_15 = math.log %log3A_14 : f32
    %div3A = vector.broadcast %log3A_15 : f32 to vector<1024x1xf32>
    %div3A_16 = arith.divf %log3A, %div3A : vector<1024x1xf32>
    %sub3A = arith.subf %div3A_16, %broadcast_in_dim3A : vector<1024x1xf32>
    %mul3A_17 = arith.constant 0.693147182 : f32
    %mul3A_18 = vector.broadcast %mul3A_17 : f32 to vector<1024x1xf32>
    %mul3A_19 = arith.mulf %mul3A_18, %sub3A : vector<1024x1xf32>
    %reduce_sum3A_20 = vector.shape_cast %mul3A_19 : vector<1024x1xf32> to vector<1x1024x1xf32>
    %reduce_sum3A_21 = arith.constant dense<0.000000e+00> : vector<1xf32>
    %reduce_sum3A_22 = vector.multi_reduction <add>, %reduce_sum3A_20, %reduce_sum3A_21 [1, 2] : vector<1x1024x1xf32> to vector<1xf32>
    %reduce_sum3A_23 = vector.shape_cast %reduce_sum3A_22 : vector<1xf32> to vector<1x1x1xf32>
    %reduce_sum3A_24 = vector.extract %reduce_sum3A_23[0, 0, 0] : f32 from vector<1x1x1xf32>
    %mul3A_25 = arith.constant 5.000000e-01 : f32
    %mul3A_26 = arith.mulf %mul3A_25, %reduce_sum3A_24 : f32
    %add3A = arith.constant 0.000000e+00 : f32
    %add3A_27 = arith.addf %add3A, %mul3A_26 : f32
    %get3A_28 = arith.constant 1 : index
    %get3A_29 = arith.constant 0 : index
    %get3A_30 = arith.constant 0 : index
    %get3A_31 = vector.load %arg0[%get3A_28, %get3A_29, %get3A_30] : memref<3x1024x128xf32, #tpu.memory_space<vmem>>, vector<1x1024x128xf32>
    %get3A_32 = vector.shape_cast %get3A_31 : vector<1x1024x128xf32> to vector<1024x128xf32>
    %get3A_33 = arith.constant 0 : index
    %get3A_34 = arith.constant 0 : index
    %get3A_35 = vector.load %arg2[%get3A_33, %get3A_34] : memref<1024x128xf32, #tpu.memory_space<vmem>>, vector<1024x128xf32>
    %mul3A_36 = arith.mulf %get3A_32, %get3A_35 : vector<1024x128xf32>
    %reduce_sum3A_37 = arith.constant dense<0.000000e+00> : vector<1024xf32>
    %reduce_sum3A_38 = vector.multi_reduction <add>, %mul3A_36, %reduce_sum3A_37 [1] : vector<1024x128xf32> to vector<1024xf32>
    %broadcast_in_dim3A_39 = vector.shape_cast %reduce_sum3A_38 : vector<1024xf32> to vector<1024x1xf32>
    %get3A_40 = arith.constant 0 : index
    %get3A_41 = arith.constant 1 : index
    %get3A_42 = arith.constant 0 : index
    %get3A_43 = arith.constant 0 : index
    %get3A_44 = vector.load %arg4[%get3A_40, %get3A_41, %get3A_42, %get3A_43] : memref<1x3x1024x1xf32, #tpu.memory_space<vmem>>, vector<1x1x1024x1xf32>
    %get3A_45 = vector.shape_cast %get3A_44 : vector<1x1x1024x1xf32> to vector<1024x1xf32>
    %log3A_46 = math.log %get3A_45 : vector<1024x1xf32>
    %log3A_47 = arith.constant 2.000000e+00 : f32
    %log3A_48 = math.log %log3A_47 : f32
    %div3A_49 = vector.broadcast %log3A_48 : f32 to vector<1024x1xf32>
    %div3A_50 = arith.divf %log3A_46, %div3A_49 : vector<1024x1xf32>
    %sub3A_51 = arith.subf %div3A_50, %broadcast_in_dim3A_39 : vector<1024x1xf32>
    %mul3A_52 = arith.constant 0.693147182 : f32
    %mul3A_53 = vector.broadcast %mul3A_52 : f32 to vector<1024x1xf32>
    %mul3A_54 = arith.mulf %mul3A_53, %sub3A_51 : vector<1024x1xf32>
    %reduce_sum3A_55 = vector.shape_cast %mul3A_54 : vector<1024x1xf32> to vector<1x1024x1xf32>
    %reduce_sum3A_56 = arith.constant dense<0.000000e+00> : vector<1xf32>
    %reduce_sum3A_57 = vector.multi_reduction <add>, %reduce_sum3A_55, %reduce_sum3A_56 [1, 2] : vector<1x1024x1xf32> to vector<1xf32>
    %reduce_sum3A_58 = vector.shape_cast %reduce_sum3A_57 : vector<1xf32> to vector<1x1x1xf32>
    %reduce_sum3A_59 = vector.extract %reduce_sum3A_58[0, 0, 0] : f32 from vector<1x1x1xf32>
    %mul3A_60 = arith.constant 5.000000e-01 : f32
    %mul3A_61 = arith.mulf %mul3A_60, %reduce_sum3A_59 : f32
    %add3A_62 = arith.addf %add3A_27, %mul3A_61 : f32
    %get3A_63 = arith.constant 2 : index
    %get3A_64 = arith.constant 0 : index
    %get3A_65 = arith.constant 0 : index
    %get3A_66 = vector.load %arg0[%get3A_63, %get3A_64, %get3A_65] : memref<3x1024x128xf32, #tpu.memory_space<vmem>>, vector<1x1024x128xf32>
    %get3A_67 = vector.shape_cast %get3A_66 : vector<1x1024x128xf32> to vector<1024x128xf32>
    %get3A_68 = arith.constant 0 : index
    %get3A_69 = arith.constant 0 : index
    %get3A_70 = vector.load %arg3[%get3A_68, %get3A_69] : memref<1024x128xf32, #tpu.memory_space<vmem>>, vector<1024x128xf32>
    %mul3A_71 = arith.mulf %get3A_67, %get3A_70 : vector<1024x128xf32>
    %reduce_sum3A_72 = arith.constant dense<0.000000e+00> : vector<1024xf32>
    %reduce_sum3A_73 = vector.multi_reduction <add>, %mul3A_71, %reduce_sum3A_72 [1] : vector<1024x128xf32> to vector<1024xf32>
    %broadcast_in_dim3A_74 = vector.shape_cast %reduce_sum3A_73 : vector<1024xf32> to vector<1024x1xf32>
    %get3A_75 = arith.constant 0 : index
    %get3A_76 = arith.constant 2 : index
    %get3A_77 = arith.constant 0 : index
    %get3A_78 = arith.constant 0 : index
    %get3A_79 = vector.load %arg4[%get3A_75, %get3A_76, %get3A_77, %get3A_78] : memref<1x3x1024x1xf32, #tpu.memory_space<vmem>>, vector<1x1x1024x1xf32>
    %get3A_80 = vector.shape_cast %get3A_79 : vector<1x1x1024x1xf32> to vector<1024x1xf32>
    %log3A_81 = math.log %get3A_80 : vector<1024x1xf32>
    %log3A_82 = arith.constant 2.000000e+00 : f32
    %log3A_83 = math.log %log3A_82 : f32
    %div3A_84 = vector.broadcast %log3A_83 : f32 to vector<1024x1xf32>
    %div3A_85 = arith.divf %log3A_81, %div3A_84 : vector<1024x1xf32>
    %sub3A_86 = arith.subf %div3A_85, %broadcast_in_dim3A_74 : vector<1024x1xf32>
    %mul3A_87 = arith.constant 0.693147182 : f32
    %mul3A_88 = vector.broadcast %mul3A_87 : f32 to vector<1024x1xf32>
    %mul3A_89 = arith.mulf %mul3A_88, %sub3A_86 : vector<1024x1xf32>
    %reduce_sum3A_90 = vector.shape_cast %mul3A_89 : vector<1024x1xf32> to vector<1x1024x1xf32>
    %reduce_sum3A_91 = arith.constant dense<0.000000e+00> : vector<1xf32>
    %reduce_sum3A_92 = vector.multi_reduction <add>, %reduce_sum3A_90, %reduce_sum3A_91 [1, 2] : vector<1x1024x1xf32> to vector<1xf32>
    %reduce_sum3A_93 = vector.shape_cast %reduce_sum3A_92 : vector<1xf32> to vector<1x1x1xf32>
    %reduce_sum3A_94 = vector.extract %reduce_sum3A_93[0, 0, 0] : f32 from vector<1x1x1xf32>
    %mul3A_95 = arith.constant 5.000000e-01 : f32
    %mul3A_96 = arith.mulf %mul3A_95, %reduce_sum3A_94 : f32
    %add3A_97 = arith.addf %add3A_62, %mul3A_96 : f32
    %div3A_98 = arith.constant 1.024000e+03 : f32
    %div3A_99 = arith.divf %add3A_97, %div3A_98 : f32
    %reshape3A = vector.broadcast %div3A_99 : f32 to vector<1x1xf32>
    %swap3A = arith.constant 0 : index
    %swap3A_100 = arith.constant 0 : index
    %swap3A_101 = vector.load %arg5[%swap3A, %swap3A_100] : memref<1x1xf32, #tpu.memory_space<vmem>>, vector<1x1xf32>
    tpu.vector_store %arg5[%swap3A, %swap3A_100], %reshape3A {strides = array<i32>} : memref<1x1xf32, #tpu.memory_space<vmem>>, vector<1x1xf32>,
    return
  }
}

</mosaic_0001>

<sc_bundles>
// kernel: kernel.6.cloned.1.call-start
scs
__scs_entry_jumppad:
0x0: {  	(pc) =	sbr.rel $0x88, $3  }
0x1: {  	(tag) =	ssettag $0x0;
	lr =	simm.s32 $0x1  }
0x2: {  	[smem:$0x3F9A] =	sst lr;
	_ =	strace $0xD0000000  }
0x3: {  	_ = 	snop  }
0x4: {  	_ = 	snop  }
0x5: {  	_ = 	snop  }
0x6: {  	_ = 	snop  }
0x7: {  	_ = 	snop  }
__scs_overlays_trampoline_lowered:
0x8: {  	[smem:$0x3FA9] =	sst s0  }
0x9: {  	[smem:$0x3FAA] =	sst s1  }
0xa: {  	[smem:$0x3FAB] =	sst s2  }
0xb: {  	[smem:$0x3FAC] =	sst s3  }
0xc: {  	[smem:$0x3FAD] =	sst s4  }
0xd: {  	[smem:$0x3FAE] =	sst s5  }
0xe: {  	[smem:$0x3FAF] =	sst s6  }
0xf: {  	[smem:$0x3FB0] =	sst s7  }
0x10: {  	[smem:$0x3FB1] =	sst s8  }
0x11: {  	[smem:$0x3FB2] =	sst s9;
	s0 =	simm.s32 @!p0 $0x0  }
0x12: {  	s1 =	sld [smem:$0x3F98];
	s0 =	simm.s32 @p0 $0x1  }
0x13: {  	[smem:$0x3FB3] =	sst s0;
	s0 =	simm.s32 @!p1 $0x0  }
0x14: {  	s2 =	sld [smem:$0x3F97];
	s0 =	simm.s32 @p1 $0x1  }
0x15: {  	[smem:$0x3FB4] =	sst s0;
	s0 =	simm.s32 @!p2 $0x0  }
0x16: {  	s3 =	sld [smem:$0x3FDB];
	s0 =	simm.s32 @p2 $0x1  }
0x17: {  	s4 =	simm.s32 $0x1BF5;
	[smem:$0x3FB6] =	sst s0  }
0x18: {  	s0 =	sld [smem:$0x3F99];
	_ =	swait.ge [sflag:s4], $0x0  }
0x19: {  	s7 =	sld [smem:$0x3F9A]  }
0x1a: {  	s8 =	sadd.s32 $0xFFFFE003, lr  }
0x1b: {  	s9 =	sadd.s32 $0xFFFFFEF7, lr;
	s5 =	simm.s32 $0xFFFFFFFF;
	p2 =	slt.u32 s8, $0xFFFFF086  }
0x1c: {  	p1 =	slt.u32 s9, $0xF7A;
	s5 =	simm.s32 @!p2 $0x0  }
0x1d: {  	s5 =	simm.s32 @p1 $0x1;
	p0 =	seq.s32 s7, s2  }
0x1e: {  	s7 =	smul.u32 @!p0 $0xF7A, s2;
	p2 =	seq.s32 @!p0 s5, $0x0  }
0x1f: {  	s9 =	smul.u32 $0xF7A, s1;
	s8 =	simm.s32 @!p0 $0x1BF5;
	p2 =	por !p2, p0  }
0x20: {  	[sflag:s8] =	ssyncset.s32 @!p0 $0xFFFFF086;
	s6 =	sadd.s32 @!p0 s3, s7;
	s7 =	simm.s32 @!p0 $0x108  }
0x21: {  	s3 =	sadd.s32 s3, s9;
	s6 =	sadd.s32 @!p0 $0x88, s6;
	s7 =	simm.s32 @p2 $0x1082  }
0x22: {  	[simem:s7], [sflag:s8] =	dma.local @!p0 [hbm:s6], $0xF7A  }
0x23: {  	s9 =	sor.u32 $0xD0000000, s2;
	s6 =	simm.s32 $0x108;
	_ =	swait.ge @!p0 [sflag:s8], $0x0  }
0x24: {  	s3 =	sadd.s32 $0x88, s3;
	s6 =	simm.s32 @!p1 $0x1082;
	[sflag:s4] =	ssyncset.s32 $0xFFFFF086  }
0x25: {  	[simem:s6], [sflag:s4] =	dma.local [hbm:s3], $0xF7A  }
0x26: {  	[smem:$0x3F9A] =	sst s1;
	(tag) =	ssettag s2;
	_ =	strace s9  }
0x27: {  	s1 =	sld [smem:$0x3FAA]  }
0x28: {  	s2 =	sld [smem:$0x3FAB]  }
0x29: {  	s4 =	sld [smem:$0x3FAD]  }
0x2a: {  	p0 =	seq.s32 s5, $0x0;
	s5 =	sld [smem:$0x3FAE]  }
0x2b: {  	s6 =	sld [smem:$0x3FAF]  }
0x2c: {  	s7 =	sld [smem:$0x3FB0]  }
0x2d: {  	s3 =	simm.s32 $0x108;
	s8 =	sld [smem:$0x3FB1]  }
0x2e: {  	s3 =	simm.s32 @!p0 $0x1082;
	s9 =	sld [smem:$0x3FB2]  }
0x2f: {  	lr =	sadd.s32 s0, s3;
	s0 =	sld [smem:$0x3FA9]  }
0x30: {  	s3 =	sld [smem:$0x3FAC]  }
0x31: {  	[smem:$0x3FB5] =	sst s10  }
0x32: {  	s10 =	sld [smem:$0x3FB3];
	_ =	sdelay $0x3  }
0x33: {  	p0 =	seq.s32 s10, $0x1;
	s10 =	sld [smem:$0x3FB5];
	_ =	sdelay $0x3  }
0x34: {  	[smem:$0x3FB5] =	sst s10  }
0x35: {  	s10 =	sld [smem:$0x3FB4];
	_ =	sdelay $0x3  }
0x36: {  	p1 =	seq.s32 s10, $0x1;
	s10 =	sld [smem:$0x3FB5];
	_ =	sdelay $0x3  }
0x37: {  	[smem:$0x3FB5] =	sst s10  }
0x38: {  	s10 =	sld [smem:$0x3FB6]  }
0x39: {  	_ = 	snop;
	(pc) =	sbr.ind lr, $3  }
0x3a: {  	_ = 	snop  }
0x3b: {  	_ = 	snop  }
0x3c: {  	p2 =	seq.s32 s10, $0x1;
	s10 =	sld [smem:$0x3FB5]  }
0x3d: {  	_ =	shalt  }
0x3e: {  	_ =	shalt  }
0x3f: {  	_ =	shalt  }
0x40: {  	_ =	shalt  }
0x41: {  	_ =	shalt  }
0x42: {  	_ =	shalt  }
0x43: {  	_ =	shalt  }
0x44: {  	_ =	shalt  }
0x45: {  	_ =	shalt  }
0x46: {  	_ =	shalt  }
0x47: {  	_ =	shalt  }
0x48: {  	_ =	shalt  }
0x49: {  	_ =	shalt  }
0x4a: {  	_ =	shalt  }
0x4b: {  	_ =	shalt  }
0x4c: {  	_ =	shalt  }
0x4d: {  	_ =	shalt  }
0x4e: {  	_ =	shalt  }
0x4f: {  	_ =	shalt  }
0x50: {  	_ =	shalt  }
0x51: {  	_ =	shalt  }
0x52: {  	_ =	shalt  }
0x53: {  	_ =	shalt  }
0x54: {  	_ =	shalt  }
0x55: {  	_ =	shalt  }
0x56: {  	_ =	shalt  }
0x57: {  	_ =	shalt  }
0x58: {  	_ =	shalt  }
0x59: {  	_ =	shalt  }
0x5a: {  	_ =	shalt  }
0x5b: {  	_ =	shalt  }
0x5c: {  	_ =	shalt  }
0x5d: {  	_ =	shalt  }
0x5e: {  	_ =	shalt  }
0x5f: {  	_ =	shalt  }
0x60: {  	_ =	shalt  }
0x61: {  	_ =	shalt  }
0x62: {  	_ =	shalt  }
0x63: {  	_ =	shalt  }
0x64: {  	_ =	shalt  }
0x65: {  	_ =	shalt  }
0x66: {  	_ =	shalt  }
0x67: {  	_ =	shalt  }
0x68: {  	_ =	shalt  }
0x69: {  	_ =	shalt  }
0x6a: {  	_ =	shalt  }
0x6b: {  	_ =	shalt  }
0x6c: {  	_ =	shalt  }
0x6d: {  	_ =	shalt  }
0x6e: {  	_ =	shalt  }
0x6f: {  	_ =	shalt  }
0x70: {  	_ =	shalt  }
0x71: {  	_ =	shalt  }
0x72: {  	_ =	shalt  }
0x73: {  	_ =	shalt  }
0x74: {  	_ =	shalt  }
0x75: {  	_ =	shalt  }
0x76: {  	_ =	shalt  }
0x77: {  	_ =	shalt  }
0x78: {  	_ =	shalt  }
0x79: {  	_ =	shalt  }
0x7a: {  	_ =	shalt  }
0x7b: {  	_ =	shalt  }
0x7c: {  	_ =	shalt  }
0x7d: {  	_ =	shalt  }
0x7e: {  	_ =	shalt  }
0x7f: {  	_ =	shalt  }
0x80: {  	_ =	shalt  }
0x81: {  	_ =	shalt  }
0x82: {  	_ =	shalt  }
0x83: {  	_ =	shalt  }
0x84: {  	_ =	shalt  }
0x85: {  	_ =	shalt  }
0x86: {  	_ =	shalt  }
0x87: {  	_ =	shalt  }
.Lfunc_end0:
.L_simem_size_0:
called_computation_lowered:
.L_overlay_start_0:
0x88: {  	s2 =	sld [smem:$0x3FD9]  }
0x89: {  	s3 =	sld [smem:$0x3FFE];
	_ =	sdelay $0x1  }
0x8a: {  	s1 =	srdreg.scid  }
0x8b: {  	s0 =	sand.u32 $0x1, s1  }
0x8c: {  	s17 =	sshll.u32 s0, $0xA;
	s2 =	sadd.s32 s3, s2  }
0x8d: {  	s2 =	sadd.s32 s2, s17  }
0x8e: {  	[smem:$0x3FC1] =	sst s2  }
0x8f: {  	_ = 	snop  }
0x90: {  	s2 =	sld [smem:$0x3FC6]  }
0x91: {  	s18 =	sld [smem:$0x3FC5]  }
0x92: {  	s4 =	sld [smem:$0x3FC4]  }
0x93: {  	s5 =	sld [smem:$0x3FC3];
	(tm) =	ssettm $0x1  }
0x94: {  	s6 =	sld [smem:$0x3FFB];
	_ =	sdelay $0x3  }
0x95: {  	_ =	strace s6  }
0x96: {  	s6 =	sld [smem:$0x3FFC];
	_ =	sdelay $0x3  }
0x97: {  	_ =	strace s6  }
0x98: {  	s6 =	sld [smem:$0x3FFD];
	_ =	sdelay $0x3  }
0x99: {  	_ =	strace s6  }
0x9a: {  	_ =	strace $0x8FFFFFFF  }
0x9b: {  	s19 =	sld [smem:$0x3FDB];
	_ =	sdelay $0x1  }
0x9c: {  	s7 =	simm.s32 $_scs_section_size  }
0x9d: {  	s8 =	simm.s32 $_size__tile_overlayer_lowered;
	s9 =	simm.s32 $_tile_overlayer_lowered  }
0x9e: {  	s22 =	simm.s32 $0x1BFF;
	s21 =	sshll.u32 s9, $0x1;
	s6 =	sadd.s32 s7, s19  }
0x9f: {  	s10 =	simm.s32 $0x0;
	s20 =	sshll.u32 s8, $0x1;
	s8 =	sadd.s32 s21, s6  }
0xa0: {  	[timem:s10], [sflag:s22] =	dma.local [hbm:s8], s20  }
0xa1: {  	_ =	swait.ge [sflag:s22], s20  }
0xa2: {  	s7 =	ssub.s32 $0x0, s20;
	[sflag:s22] =	ssyncset.done $0x0  }
0xa3: {  	[sflag:s22] =	ssyncadd.s32 s7;
	_ =	sdelay $0x1  }
0xa4: {  	s23 =	simm.s32 $0x1B8B  }
0xa5: {  	_ =	swait.ge [sflag:s23], $0x1  }
0xa6: {  	[sflag:s23] =	ssyncset.done $0x0  }
0xa7: {  	s25 =	simm.s32 $0x1B8E;
	s24 =	sld [smem:$0x3FFE];
	[sflag:s23] =	ssyncadd.s32 $0xFFFFFFFF  }
0xa8: {  	s26 =	simm.s32 $execute0_lowered;
	[smem:$0x3FD2] =	sst s25  }
0xa9: {  	s8 =	sshll.u32 s26, $0x1;
	_ =	strace $0x80000046;
	[dreg:$0x1] =	wrdreg $0xFFFFFFFF  }
0xaa: {  	s28 =	simm.s32 $_size_execute0_lowered;
	s6 =	sadd.s32 s6, s8;
	[dreg:$0x0] =	wrdreg $0x0  }
0xab: {  	s8 =	sshll.u32 s28, $0x1;
	[dreg:$0x2] =	wrdreg s6  }
0xac: {  	[dreg:$0x3] =	wrdreg s8  }
0xad: {  	[dreg:$0x4] =	wrdreg $0xC0  }
0xae: {  	_ =	task [dreg:s10], $0x5FFFF  }
0xaf: {  	[dreg:$0x1] =	wrdreg $0xFFFFFFFF  }
0xb0: {  	[dreg:$0x0] =	wrdreg $0x60  }
0xb1: {  	[dreg:$0x2] =	wrdreg s2  }
0xb2: {  	[dreg:$0x3] =	wrdreg s18  }
0xb3: {  	[dreg:$0x4] =	wrdreg s4  }
0xb4: {  	[dreg:$0x5] =	wrdreg s5  }
0xb5: {  	[dreg:$0x6] =	wrdreg s24  }
0xb6: {  	[dreg:$0x7] =	wrdreg $0x9  }
0xb7: {  	_ =	task.clear_ibuf [dreg:s10], $0x8FFFF;
	_ =	strace $0x90000046  }
0xb8: {  	s29 =	simm.s32 $0x9;
	_ =	strace $0x80000048  }
0xb9: {  	_ =	swait.ge [sflag:s29], $0x1  }
0xba: {  	[sflag:s29] =	ssyncadd.s32 $0xFFFFFFFF  }
0xbb: {  	_ =	strace $0x90000048  }
0xbc: {  	_ =	sfence  }
0xbd: {  	s30 =	sld [smem:$0x0];
	_ =	sdelay $0x2  }
0xbe: {  	s31 =	sshll.u32 s1, $0xD;
	s1 =	sshrl.u32 s1, $0x2  }
0xbf: {  	s3 =	sand.u32 $0x4000, s31;
	s1 =	sadd.s32 s1, s30  }
0xc0: {  	s0 =	sor.u32 s3, s0;
	s1 =	sshll.u32 s1, $0x11  }
0xc1: {  	s0 =	sor.u32 s1, s0  }
0xc2: {  	s0 =	sadd.s32 $0x8F2B, s0  }
0xc3: {  	[sflag:s0] =	ssyncadd.remote.s32 $0x1  }
0xc4: {  	_ =	sfence.sel $0xFFFF  }
0xc5: {  	[dreg:$0x0] =	wrdreg $0xFFFFFFFF;
	(pc) =	sbr.abs _section_cstart, $3  }
0xc6: {  	[dreg:$0x1] =	wrdreg $0xFFFFFFFF  }
0xc7: {  	_ =	task.clear_ibuf [dreg:s10], $0x2FFFF;
	_ =	strace $0x9FFFFFFF  }
0xc8: {  	(tm) =	ssettm $0x7FFFFFFF  }
0xc9: {  	_ =	shalt  }
tec
execute0_lowered:
.L_overlay_start_1:
0x0: {  	(tag) =	ssettag $0x1  }
0x1: {  	s6 =	rddreg [dreg:$0x0]  }
0x2: {  	s1 =	rddreg [dreg:$0x1]  }
0x3: {  	s2 =	rddreg [dreg:$0x2];
	s3 =	srdreg.scid  }
0x4: {  	s4 =	rddreg [dreg:$0x3];
	s0 =	stileid.u32;
	s13 =	sand.u32 $0x1, s3  }
0x5: {  	s11 =	rddreg [dreg:$0x4];
	s7 =	sshll.u32 s0, $0x6;
	s8 =	sshll.u32 s13, $0x5  }
0x6: {  	s5 =	simm.s32 $0x0;
	s3 =	rddreg [dreg:$0x5];
	s12 =	sor.u32 s8, s7  }
0x7: {  	[smem:$0x7FF] =	sst s5;
	s7 =	sshrl.u32 s12, $0x3  }
0x8: {  	_ =	strace $0x80000047;
	s7 =	sadd.s32 s6, s7;
	s6 =	simm.s32 $0x2  }
0x9: {  	[tilespmem:s5], [sflag:$0x2] =	stream.linear.gather [hbm4b:s7+s5], $0x20, $0x38;
	[tilespmem:$0x1080] =	vst v63  }
0xa: {  	_ =	swait.ge [sflag:s6], $0x20  }
0xb: {  	s9 =	simm.s32 $0x80;
	[sflag:s6] =	ssyncset.done $0x0  }
0xc: {  	s10 =	simm.s32 $0x1;
	s8 =	simm.s32 $0x20;
	[sflag:s6] =	ssyncadd.s32 $0xFFFFFFE0  }
0xd: {  	[tilespmem:s9], [sflag:$0x1] =	stream.indirect.gather [hbm4b:s1+s8], $0x80, s5, s8, $0xb8;
	[tilespmem:$0x1080] =	vst v63  }
0xe: {  	s12 =	sshll.u32 s12, $0x4;
	_ =	swait.ge [sflag:s10], $0x1000  }
0xf: {  	s14 =	sadd.s32 s12, s11;
	[sflag:s10] =	ssyncset.done $0x0  }
0x10: {  	s11 =	sadd.s32 $0x1400, s14;
	[sflag:s10] =	ssyncadd.s32 $0xFFFFF000  }
0x11: {  	[hbm4b:s11+s5] =	stream.linear.scatter [tilespmem:s9], [sflag:$0x2], $0x1000, $0x38;
	[tilespmem:$0x1080] =	vst v63  }
0x12: {  	_ =	swait.ge [sflag:s6], $0x1000  }
0x13: {  	[sflag:s6] =	ssyncset.done $0x0  }
0x14: {  	[sflag:s6] =	ssyncadd.s32 $0xFFFFF000  }
0x15: {  	[tilespmem:s9], [sflag:$0x1] =	stream.indirect.gather [hbm4b:s2+s8], $0x80, s5, s8, $0xb8;
	[tilespmem:$0x1080] =	vst v63  }
0x16: {  	_ =	swait.ge [sflag:s10], $0x1000  }
0x17: {  	[sflag:s10] =	ssyncset.done $0x0  }
0x18: {  	s13 =	ssub.s32 $0x2, s13;
	s12 =	sadd.s32 $0x5400, s14;
	[sflag:s10] =	ssyncadd.s32 $0xFFFFF000  }
0x19: {  	[hbm4b:s12+s5] =	stream.linear.scatter [tilespmem:s9], [sflag:$0x2], $0x1000, $0x38;
	[tilespmem:$0x1080] =	vst v63  }
0x1a: {  	s15 =	sshrl.u32 s13, $0x1;
	_ =	swait.ge [sflag:s6], $0x1000  }
0x1b: {  	s15 =	ssub.s32 s13, s15;
	[sflag:s6] =	ssyncset.done $0x0  }
0x1c: {  	s31 =	smax.u32 s15, $0x1;
	[sflag:s6] =	ssyncadd.s32 $0xFFFFF000  }
0x1d: {  	[tilespmem:s9], [sflag:$0x1] =	stream.indirect.gather [hbm4b:s4+s8], $0x80, s5, s8, $0xb8;
	[tilespmem:$0x1080] =	vst v63  }
0x1e: {  	p0 =	sne.s32 s31, $0x1;
	_ =	swait.ge [sflag:s10], $0x1000  }
.Ltmp0:
0x1f: {  	[sflag:s10] =	ssyncset.done $0x0;
	(pc) =	sbr.rel @!p0 .LBB2_2-.Ltmp0, $4  }
0x20: {  	s13 =	sadd.s32 $0x9400, s14;
	[sflag:s10] =	ssyncadd.s32 $0xFFFFF000  }
0x21: {  	[hbm4b:s13+s5] =	stream.linear.scatter [tilespmem:s9], [sflag:$0x2], $0x1000, $0x38;
	[tilespmem:$0x1080] =	vst v63  }
0x22: {  	_ =	swait.ge [sflag:s6], $0x1000  }
0x23: {  	s14 =	sadd.s32 $0xFFFFFFFF, s31;
	[sflag:s6] =	ssyncset.done $0x0  }
.LBB2_1:
0x24: {  	p0 =	sne.s32 s14, $0x1;
	s14 =	sadd.s32 $0xFFFFFFFF, s14;
	[sflag:s6] =	ssyncadd.s32 $0xFFFFF000  }
0x25: {  	[tilespmem:s5], [sflag:$0x2] =	stream.linear.gather [hbm4b:s7+s5], $0x20, $0x38;
	[tilespmem:$0x1080] =	vst v63  }
0x26: {  	_ =	swait.ge [sflag:s6], $0x20  }
0x27: {  	[sflag:s6] =	ssyncset.done $0x0  }
0x28: {  	[sflag:s6] =	ssyncadd.s32 $0xFFFFFFE0  }
0x29: {  	[tilespmem:s9], [sflag:$0x1] =	stream.indirect.gather [hbm4b:s1+s8], $0x80, s5, s8, $0xb8;
	[tilespmem:$0x1080] =	vst v63  }
0x2a: {  	_ =	swait.ge [sflag:s10], $0x1000  }
0x2b: {  	[sflag:s10] =	ssyncset.done $0x0  }
0x2c: {  	[sflag:s10] =	ssyncadd.s32 $0xFFFFF000  }
0x2d: {  	[hbm4b:s11+s5] =	stream.linear.scatter [tilespmem:s9], [sflag:$0x2], $0x1000, $0x38;
	[tilespmem:$0x1080] =	vst v63  }
0x2e: {  	_ =	swait.ge [sflag:s6], $0x1000  }
0x2f: {  	[sflag:s6] =	ssyncset.done $0x0  }
0x30: {  	[sflag:s6] =	ssyncadd.s32 $0xFFFFF000  }
0x31: {  	[tilespmem:s9], [sflag:$0x1] =	stream.indirect.gather [hbm4b:s2+s8], $0x80, s5, s8, $0xb8;
	[tilespmem:$0x1080] =	vst v63  }
0x32: {  	_ =	swait.ge [sflag:s10], $0x1000  }
0x33: {  	[sflag:s10] =	ssyncset.done $0x0  }
0x34: {  	[sflag:s10] =	ssyncadd.s32 $0xFFFFF000  }
0x35: {  	[hbm4b:s12+s5] =	stream.linear.scatter [tilespmem:s9], [sflag:$0x2], $0x1000, $0x38;
	[tilespmem:$0x1080] =	vst v63  }
0x36: {  	_ =	swait.ge [sflag:s6], $0x1000  }
0x37: {  	[sflag:s6] =	ssyncset.done $0x0  }
0x38: {  	[sflag:s6] =	ssyncadd.s32 $0xFFFFF000  }
0x39: {  	[tilespmem:s9], [sflag:$0x1] =	stream.indirect.gather [hbm4b:s4+s8], $0x80, s5, s8, $0xb8;
	[tilespmem:$0x1080] =	vst v63  }
0x3a: {  	_ =	swait.ge [sflag:s10], $0x1000  }
.Ltmp1:
0x3b: {  	[sflag:s10] =	ssyncset.done $0x0;
	(pc) =	sbr.rel @p0 .LBB2_1-.Ltmp1, $4  }
0x3c: {  	[sflag:s10] =	ssyncadd.s32 $0xFFFFF000  }
0x3d: {  	[hbm4b:s13+s5] =	stream.linear.scatter [tilespmem:s9], [sflag:$0x2], $0x1000, $0x38;
	[tilespmem:$0x1080] =	vst v63  }
0x3e: {  	_ =	swait.ge [sflag:s6], $0x1000  }
0x3f: {  	[sflag:s6] =	ssyncset.done $0x0  }
.LBB2_2:
0x40: {  	[sflag:s6] =	ssyncadd.s32 $0xFFFFF000  }
0x41: {  	_ =	sfence.sel $0x180000  }
0x42: {  	[bflag:$0x0] =	sbarrier.arrive $0xFFFF  }
0x43: {  	p0 =	sne.s32 s0, $0x0;
	_ =	strace $0x90000047  }
0x44: {  	s0 =	sadd.s32 @!p0 $0x100000, s3;
	[bflag:$0x2] =	sbarrier.arrive $0xFFFF  }
0x45: {  	[sflag:s0] =	ssyncadd.tile.s32 @!p0 $0x1;
	_ =	shalt  }
.Lfunc_end2:
_tile_overlayer_lowered:
.L_overlay_start_2:
0x46: {  	(tag) =	ssettag $0x2  }
0x47: {  	s0 =	rddreg [dreg:$0x0];
	s2 =	stileid.u32  }
0x48: {  	s1 =	rddreg [dreg:$0x1];
	p0 =	sne.s32 s2, $0x0  }
0x49: {  	s3 =	rddreg [dreg:$0x2];
	[bflag:$0x3] =	sbarrier.arrive $0xFFFF;
	s2 =	simm.s32 @!p0 $0x1C02  }
0x4a: {  	[timem:s3], [sflag:s2] =	dma.local @!p0 [hbm:s0], s1  }
0x4b: {  	s0 =	simm.s32 @!p0 $0x2  }
0x4c: {  	_ =	swait.ge @!p0 [sflag:s0], s1  }
0x4d: {  	s1 =	ssub.s32 @!p0 $0x0, s1;
	[sflag:s0] =	ssyncset.done @!p0 $0x0  }
0x4e: {  	[sflag:s0] =	ssyncadd.s32 @!p0 s1  }
0x4f: {  	[bflag:$0x3] =	sbarrier.arrive $0xFFFF  }
0x50: {  	_ =	shalt  }

</sc_bundles>
